<compile_context>
chip_gen: v7x
topology: tpu7x:2x2x1
jax: 0.10.2.dev20260603
libtpu: 0.0.44.dev20260713+nightly
codegen_flags: <defaults>
</compile_context>

<pallas_src>
import functools

import jax
import jax.numpy as jnp
from jax import lax
from jax.experimental import pallas as pl
from jax.experimental.pallas import tpu as pltpu
from jax.experimental.pallas import tpu_sc as plsc

_T = 16384
_V = 1000
_L = 16
_G = 100
_CB = (_G // 8) * 8
_CLANE = _G - _CB

_mesh = plsc.VectorSubcoreMesh(core_axis_name="c", subcore_axis_name="s",
                               num_cores=1, num_subcores=1)


def _aligned_window(idx, size):
    return pl.multiple_of(jnp.minimum((idx // 8) * 8, size - _L), 8)


@functools.partial(
    pl.kernel,
    out_type=jax.ShapeDtypeStruct((1,), jnp.float32),
    mesh=_mesh,
    compiler_params=pltpu.CompilerParams(needs_layout_passes=False),
    scratch_types=[
        pltpu.VMEM((_L,), jnp.int32),
        pltpu.VMEM((_L,), jnp.int32),
        pltpu.VMEM((_L,), jnp.int32),
        pltpu.VMEM((_L,), jnp.int32),
        pltpu.VMEM((_V,), jnp.float32),
        pltpu.VMEM((_V,), jnp.float32),
        pltpu.VMEM((_L,), jnp.float32),
        pltpu.VMEM((_V,), jnp.float32),
        pltpu.VMEM((_L,), jnp.float32),
        pltpu.VMEM((_L,), jnp.float32),
    ] + [pltpu.SemaphoreType.DMA] * 8,
)
def _sc_perf_policy(i_hbm, p0_hbm, p1_hbm, p2_hbm, p3_hbm,
                    c0_hbm, c1_hbm, c2_hbm, c3_hbm, out_hbm,
                    c0_v, c1_v, c2_v, c3_v,
                    p0_v, p1_v, p2_v, p3_v, i_v, o_v,
                    s_i, s_p2, s_c0, s_c1, s_c2, s_c3, s_pa, s_pb):
    cid = lax.axis_index("c")
    sid = lax.axis_index("s")

    @pl.when(jnp.logical_and(cid == 0, sid == 0))
    def _():
        iota = lax.iota(jnp.int32, _L)

        def lane_i32(ref, lane):
            return jnp.sum(jnp.where(iota == lane, ref[...], 0))

        def lane_f32(ref, lane):
            return jnp.sum(jnp.where(iota == lane, ref[...], 0.0))

        cp0 = pltpu.async_copy(c0_hbm.at[pl.ds(_CB, _L)], c0_v, s_c0)
        cp1 = pltpu.async_copy(c1_hbm.at[pl.ds(_CB, _L)], c1_v, s_c1)
        cp2 = pltpu.async_copy(c2_hbm.at[pl.ds(_CB, _L)], c2_v, s_c2)
        cp3 = pltpu.async_copy(c3_hbm.at[pl.ds(_CB, _L)], c3_v, s_c3)
        cpp0 = pltpu.async_copy(p0_hbm, p0_v, s_pa)
        cpp1 = pltpu.async_copy(p1_hbm, p1_v, s_pb)
        cpp3 = pltpu.async_copy(p3_hbm, p3_v, s_pa)
        cp_i = pltpu.async_copy(i_hbm, i_v.at[pl.ds(0, 1)], s_i)
        cp_p2 = pltpu.async_copy(p2_hbm.at[pl.ds(0, _L)], p2_v, s_p2)

        cp0.wait()
        cp1.wait()
        cp2.wait()
        cp3.wait()
        c0 = lane_i32(c0_v, _CLANE)
        c1 = lane_i32(c1_v, _CLANE)
        c3 = lane_i32(c3_v, _CLANE)
        c2i = lane_i32(c2_v, _CLANE)

        cpp0.wait()
        cpp1.wait()
        cpp3.wait()
        cp_i.wait()
        cp_p2.wait()

        def masked(p_v, c):
            pb = _aligned_window(c, _V)
            win = p_v[pl.ds(pb, _L)]
            return jnp.where(iota == c - pb, win, 0.0)

        c2v = jnp.full((_L,), c2i, jnp.int32).astype(jnp.float32)
        p2_term = jnp.where(iota == 0,
                            (1.0 - c2v) + (2.0 * c2v - 1.0) * p2_v[...], 0.0)
        contrib = (masked(p0_v, c0) + masked(p1_v, c1) + masked(p3_v, c3)
                   + p2_term)
        perf = 1.0 + jnp.sum(contrib)
        out = lane_f32(i_v, 0) * perf
        o_v[...] = jnp.full((_L,), out, jnp.float32)
        pltpu.sync_copy(o_v.at[pl.ds(0, 1)], out_hbm)


def kernel(I, actions_prob_0, actions_prob_1, actions_prob_2, actions_prob_3,
           actions_choice_0, actions_choice_1, actions_choice_2,
           actions_choice_3, G_idx):
    del G_idx
    return _sc_perf_policy(
        I,
        actions_prob_0.reshape((_V,)), actions_prob_1.reshape((_V,)),
        actions_prob_2.reshape((_V,)), actions_prob_3.reshape((_V,)),
        actions_choice_0.astype(jnp.int32), actions_choice_1.astype(jnp.int32),
        actions_choice_2.astype(jnp.int32), actions_choice_3.astype(jnp.int32),
    )

# --- scband reference (transcript-rebuilt; emitter-appended) ---
"""Pipeline reference for scband-perf-policy-21474836480000 (READ-ONLY COPY).

The authoritative reference and input builder live on the scoring server;
editing this copy changes nothing except your own understanding.
"""

import jax, jax.numpy as jnp
import numpy as np

T = 16384
V = 1000

def setup_inputs(seed: int = 0) -> dict:
    key = jax.random.key(seed)
    ks = jax.random.split(key, 10)
    I = jax.random.uniform(ks[0], (1,), dtype=jnp.float32)
    actions_prob_0 = jax.random.uniform(ks[1], (1, V), dtype=jnp.float32)
    actions_prob_1 = jax.random.uniform(ks[2], (1, V), dtype=jnp.float32)
    actions_prob_2 = jax.random.uniform(ks[3], (1, V), dtype=jnp.float32)
    actions_prob_3 = jax.random.uniform(ks[4], (1, V), dtype=jnp.float32)
    actions_choice_0 = jax.random.randint(ks[5], (T,), 0, V, dtype=jnp.int64) if jax.config.jax_enable_x64 else jax.random.randint(ks[5], (T,), 0, V).astype(jnp.int32)
    actions_choice_1 = jax.random.randint(ks[6], (T,), 0, V).astype(actions_choice_0.dtype)
    actions_choice_2 = jax.random.randint(ks[7], (T,), 0, 2).astype(jnp.bool_)
    actions_choice_3 = jax.random.randint(ks[8], (T,), 0, V).astype(actions_choice_0.dtype)
    G_idx = 100
    return {
        "I": I,
        "actions_prob_0": actions_prob_0,
        "actions_prob_1": actions_prob_1,
        "actions_prob_2": actions_prob_2,
        "actions_prob_3": actions_prob_3,
        "actions_choice_0": actions_choice_0,
        "actions_choice_1": actions_choice_1,
        "actions_choice_2": actions_choice_2,
        "actions_choice_3": actions_choice_3,
        "G_idx": G_idx,
    }

def reference(I, actions_prob_0, actions_prob_1, actions_prob_2, actions_prob_3,
              actions_choice_0, actions_choice_1, actions_choice_2, actions_choice_3,
              G_idx):
    actions_prob = (actions_prob_0, actions_prob_1, actions_prob_2, actions_prob_3)
    actions_choice = (actions_choice_0, actions_choice_1, actions_choice_2, actions_choice_3)
    perf_player = jnp.float32(1.0)
    for i in range(2):
        perf_player = perf_player + actions_prob[i][0, actions_choice[i][G_idx]]
    c2 = actions_choice[2][G_idx]
    not_c2 = jnp.logical_not(c2).astype(jnp.float32)
    c2f = c2.astype(jnp.float32)
    perf_player = perf_player + (not_c2 + (2.0 * c2f - 1.0) * actions_prob[2][0, 0])
    perf_player = perf_player + actions_prob[3][0, actions_choice[3][G_idx]]
    return I * perf_player

if __name__ == "__main__":
    import jax
    _d = setup_inputs()
    print(jax.jit(kernel)(*tuple(_d.values())))

</pallas_src>

<mosaic_0001>
#map = affine_map<(d0, d1) -> (0)>
module attributes {stable_mosaic.version = 14 : i64} {
  func.func @_sc_perf_policy(%arg0: i32, %arg1: i32, %arg2: memref<1xf32, #tpu.memory_space<hbm>>, %arg3: memref<1000xf32, #tpu.memory_space<hbm>>, %arg4: memref<1000xf32, #tpu.memory_space<hbm>>, %arg5: memref<1000xf32, #tpu.memory_space<hbm>>, %arg6: memref<1000xf32, #tpu.memory_space<hbm>>, %arg7: memref<16384xi32, #tpu.memory_space<hbm>>, %arg8: memref<16384xi32, #tpu.memory_space<hbm>>, %arg9: memref<16384xi32, #tpu.memory_space<hbm>>, %arg10: memref<16384xi32, #tpu.memory_space<hbm>>, %arg11: memref<1xf32, #tpu.memory_space<hbm>>, %arg12: memref<16xi32, #tpu.memory_space<vmem>>, %arg13: memref<16xi32, #tpu.memory_space<vmem>>, %arg14: memref<16xi32, #tpu.memory_space<vmem>>, %arg15: memref<16xi32, #tpu.memory_space<vmem>>, %arg16: memref<1000xf32, #tpu.memory_space<vmem>>, %arg17: memref<1000xf32, #tpu.memory_space<vmem>>, %arg18: memref<16xf32, #tpu.memory_space<vmem>>, %arg19: memref<1000xf32, #tpu.memory_space<vmem>>, %arg20: memref<16xf32, #tpu.memory_space<vmem>>, %arg21: memref<16xf32, #tpu.memory_space<vmem>>, %arg22: memref<!tpu.dma_semaphore, #tpu.memory_space<semaphore_mem>>, %arg23: memref<!tpu.dma_semaphore, #tpu.memory_space<semaphore_mem>>, %arg24: memref<!tpu.dma_semaphore, #tpu.memory_space<semaphore_mem>>, %arg25: memref<!tpu.dma_semaphore, #tpu.memory_space<semaphore_mem>>, %arg26: memref<!tpu.dma_semaphore, #tpu.memory_space<semaphore_mem>>, %arg27: memref<!tpu.dma_semaphore, #tpu.memory_space<semaphore_mem>>, %arg28: memref<!tpu.dma_semaphore, #tpu.memory_space<semaphore_mem>>, %arg29: memref<!tpu.dma_semaphore, #tpu.memory_space<semaphore_mem>>) attributes {dimension_semantics = [#tpu.dimension_semantics<core_parallel>, #tpu.dimension_semantics<subcore_parallel>], iteration_bounds = array<i64: 1, 1>, scalar_prefetch = 0 : i64, scratch_operands = 18 : i64, tpu.core_type = #tpu.core_type<sc_vector_subcore>, window_params = [{transform_indices = #map}, {transform_indices = #map}, {transform_indices = #map}, {transform_indices = #map}, {transform_indices = #map}, {transform_indices = #map}, {transform_indices = #map}, {transform_indices = #map}, {transform_indices = #map}, {transform_indices = #map}]} {
    %eq3A = arith.constant 0 : i32
    %eq3A_0 = arith.cmpi eq, %arg0, %eq3A : i32
    %eq3A_1 = arith.constant 0 : i32
    %eq3A_2 = arith.cmpi eq, %arg1, %eq3A_1 : i32
    %and3A = arith.andi %eq3A_0, %eq3A_2 : i1
    %convert_element_type3A = arith.extui %and3A : i1 to i32
    %cond3A = arith.constant 0 : i32
    %cond3A_3 = arith.cmpi ne, %convert_element_type3A, %cond3A : i32
    scf.if %cond3A_3 {
      %iota3A = tpu.iota {dimensions = array<i32: 0>} : vector<16xi32>
      %dma_start3A = arith.constant 96 : i32
      %dma_start3A_4 = tpu.memref_slice %arg7[%dma_start3A] : memref<16384xi32, #tpu.memory_space<hbm>> -> memref<16xi32, #tpu.memory_space<hbm>>
      %dma_start3A_5 = arith.constant 96 : i32
      %dma_start3A_6 = tpu.memref_slice %arg7[%dma_start3A_5] : memref<16384xi32, #tpu.memory_space<hbm>> -> memref<16xi32, #tpu.memory_space<hbm>>
      tpu.enqueue_dma source(%dma_start3A_6 : memref<16xi32, #tpu.memory_space<hbm>>) target(%arg12 : memref<16xi32, #tpu.memory_space<vmem>>) target_semaphore(%arg24 : memref<!tpu.dma_semaphore, #tpu.memory_space<semaphore_mem>>)
      %dma_start3A_7 = arith.constant 96 : i32
      %dma_start3A_8 = tpu.memref_slice %arg8[%dma_start3A_7] : memref<16384xi32, #tpu.memory_space<hbm>> -> memref<16xi32, #tpu.memory_space<hbm>>
      %dma_start3A_9 = arith.constant 96 : i32
      %dma_start3A_10 = tpu.memref_slice %arg8[%dma_start3A_9] : memref<16384xi32, #tpu.memory_space<hbm>> -> memref<16xi32, #tpu.memory_space<hbm>>
      tpu.enqueue_dma source(%dma_start3A_10 : memref<16xi32, #tpu.memory_space<hbm>>) target(%arg13 : memref<16xi32, #tpu.memory_space<vmem>>) target_semaphore(%arg25 : memref<!tpu.dma_semaphore, #tpu.memory_space<semaphore_mem>>)
      %dma_start3A_11 = arith.constant 96 : i32
      %dma_start3A_12 = tpu.memref_slice %arg9[%dma_start3A_11] : memref<16384xi32, #tpu.memory_space<hbm>> -> memref<16xi32, #tpu.memory_space<hbm>>
      %dma_start3A_13 = arith.constant 96 : i32
      %dma_start3A_14 = tpu.memref_slice %arg9[%dma_start3A_13] : memref<16384xi32, #tpu.memory_space<hbm>> -> memref<16xi32, #tpu.memory_space<hbm>>
      tpu.enqueue_dma source(%dma_start3A_14 : memref<16xi32, #tpu.memory_space<hbm>>) target(%arg14 : memref<16xi32, #tpu.memory_space<vmem>>) target_semaphore(%arg26 : memref<!tpu.dma_semaphore, #tpu.memory_space<semaphore_mem>>)
      %dma_start3A_15 = arith.constant 96 : i32
      %dma_start3A_16 = tpu.memref_slice %arg10[%dma_start3A_15] : memref<16384xi32, #tpu.memory_space<hbm>> -> memref<16xi32, #tpu.memory_space<hbm>>
      %dma_start3A_17 = arith.constant 96 : i32
      %dma_start3A_18 = tpu.memref_slice %arg10[%dma_start3A_17] : memref<16384xi32, #tpu.memory_space<hbm>> -> memref<16xi32, #tpu.memory_space<hbm>>
      tpu.enqueue_dma source(%dma_start3A_18 : memref<16xi32, #tpu.memory_space<hbm>>) target(%arg15 : memref<16xi32, #tpu.memory_space<vmem>>) target_semaphore(%arg27 : memref<!tpu.dma_semaphore, #tpu.memory_space<semaphore_mem>>)
      tpu.enqueue_dma source(%arg3 : memref<1000xf32, #tpu.memory_space<hbm>>) target(%arg16 : memref<1000xf32, #tpu.memory_space<vmem>>) target_semaphore(%arg28 : memref<!tpu.dma_semaphore, #tpu.memory_space<semaphore_mem>>)
      tpu.enqueue_dma source(%arg4 : memref<1000xf32, #tpu.memory_space<hbm>>) target(%arg17 : memref<1000xf32, #tpu.memory_space<vmem>>) target_semaphore(%arg29 : memref<!tpu.dma_semaphore, #tpu.memory_space<semaphore_mem>>)
      tpu.enqueue_dma source(%arg6 : memref<1000xf32, #tpu.memory_space<hbm>>) target(%arg19 : memref<1000xf32, #tpu.memory_space<vmem>>) target_semaphore(%arg28 : memref<!tpu.dma_semaphore, #tpu.memory_space<semaphore_mem>>)
      %dma_start3A_19 = arith.constant 0 : i32
      %dma_start3A_20 = tpu.memref_slice %arg20[%dma_start3A_19] : memref<16xf32, #tpu.memory_space<vmem>> -> memref<1xf32, #tpu.memory_space<vmem>>
      %dma_start3A_21 = arith.constant 0 : i32
      %dma_start3A_22 = tpu.memref_slice %arg20[%dma_start3A_21] : memref<16xf32, #tpu.memory_space<vmem>> -> memref<1xf32, #tpu.memory_space<vmem>>
      tpu.enqueue_dma source(%arg2 : memref<1xf32, #tpu.memory_space<hbm>>) target(%dma_start3A_22 : memref<1xf32, #tpu.memory_space<vmem>>) target_semaphore(%arg22 : memref<!tpu.dma_semaphore, #tpu.memory_space<semaphore_mem>>)
      %dma_start3A_23 = arith.constant 0 : i32
      %dma_start3A_24 = tpu.memref_slice %arg5[%dma_start3A_23] : memref<1000xf32, #tpu.memory_space<hbm>> -> memref<16xf32, #tpu.memory_space<hbm>>
      %dma_start3A_25 = arith.constant 0 : i32
      %dma_start3A_26 = tpu.memref_slice %arg5[%dma_start3A_25] : memref<1000xf32, #tpu.memory_space<hbm>> -> memref<16xf32, #tpu.memory_space<hbm>>
      tpu.enqueue_dma source(%dma_start3A_26 : memref<16xf32, #tpu.memory_space<hbm>>) target(%arg18 : memref<16xf32, #tpu.memory_space<vmem>>) target_semaphore(%arg23 : memref<!tpu.dma_semaphore, #tpu.memory_space<semaphore_mem>>)
      %dma_wait3A = arith.constant 96 : i32
      %dma_wait3A_27 = tpu.memref_slice %arg7[%dma_wait3A] : memref<16384xi32, #tpu.memory_space<hbm>> -> memref<16xi32, #tpu.memory_space<hbm>>
      %dma_wait3A_28 = arith.constant 96 : i32
      %dma_wait3A_29 = tpu.memref_slice %arg7[%dma_wait3A_28] : memref<16384xi32, #tpu.memory_space<hbm>> -> memref<16xi32, #tpu.memory_space<hbm>>
      tpu.wait_dma2 semaphore(%arg24 : memref<!tpu.dma_semaphore, #tpu.memory_space<semaphore_mem>>) src(%dma_wait3A_29 : memref<16xi32, #tpu.memory_space<hbm>>) dst(%arg12 : memref<16xi32, #tpu.memory_space<vmem>>)
      %dma_wait3A_30 = arith.constant 96 : i32
      %dma_wait3A_31 = tpu.memref_slice %arg8[%dma_wait3A_30] : memref<16384xi32, #tpu.memory_space<hbm>> -> memref<16xi32, #tpu.memory_space<hbm>>
      %dma_wait3A_32 = arith.constant 96 : i32
      %dma_wait3A_33 = tpu.memref_slice %arg8[%dma_wait3A_32] : memref<16384xi32, #tpu.memory_space<hbm>> -> memref<16xi32, #tpu.memory_space<hbm>>
      tpu.wait_dma2 semaphore(%arg25 : memref<!tpu.dma_semaphore, #tpu.memory_space<semaphore_mem>>) src(%dma_wait3A_33 : memref<16xi32, #tpu.memory_space<hbm>>) dst(%arg13 : memref<16xi32, #tpu.memory_space<vmem>>)
      %dma_wait3A_34 = arith.constant 96 : i32
      %dma_wait3A_35 = tpu.memref_slice %arg9[%dma_wait3A_34] : memref<16384xi32, #tpu.memory_space<hbm>> -> memref<16xi32, #tpu.memory_space<hbm>>
      %dma_wait3A_36 = arith.constant 96 : i32
      %dma_wait3A_37 = tpu.memref_slice %arg9[%dma_wait3A_36] : memref<16384xi32, #tpu.memory_space<hbm>> -> memref<16xi32, #tpu.memory_space<hbm>>
      tpu.wait_dma2 semaphore(%arg26 : memref<!tpu.dma_semaphore, #tpu.memory_space<semaphore_mem>>) src(%dma_wait3A_37 : memref<16xi32, #tpu.memory_space<hbm>>) dst(%arg14 : memref<16xi32, #tpu.memory_space<vmem>>)
      %dma_wait3A_38 = arith.constant 96 : i32
      %dma_wait3A_39 = tpu.memref_slice %arg10[%dma_wait3A_38] : memref<16384xi32, #tpu.memory_space<hbm>> -> memref<16xi32, #tpu.memory_space<hbm>>
      %dma_wait3A_40 = arith.constant 96 : i32
      %dma_wait3A_41 = tpu.memref_slice %arg10[%dma_wait3A_40] : memref<16384xi32, #tpu.memory_space<hbm>> -> memref<16xi32, #tpu.memory_space<hbm>>
      tpu.wait_dma2 semaphore(%arg27 : memref<!tpu.dma_semaphore, #tpu.memory_space<semaphore_mem>>) src(%dma_wait3A_41 : memref<16xi32, #tpu.memory_space<hbm>>) dst(%arg15 : memref<16xi32, #tpu.memory_space<vmem>>)
      %eq3A_42 = arith.constant 4 : i32
      %eq3A_43 = vector.broadcast %eq3A_42 : i32 to vector<16xi32>
      %eq3A_44 = arith.cmpi eq, %iota3A, %eq3A_43 : vector<16xi32>
      %get3A = arith.constant 0 : index
      %get3A_45 = tpu.vector_load %arg12[%get3A] {strides = array<i32>} : memref<16xi32, #tpu.memory_space<vmem>>, vector<16xi32>,
      %jit3A = arith.constant 0 : i32
      %broadcast_in_dim3A = vector.broadcast %jit3A : i32 to vector<16xi32>
      %select_n3A = arith.select %eq3A_44, %get3A_45, %broadcast_in_dim3A : vector<16xi1>, vector<16xi32>
      %reduce_sum3A = arith.constant true
      %reduce_sum3A_46 = vector.broadcast %reduce_sum3A : i1 to vector<16xi1>
      %reduce_sum3A_47 = tpu.scan <sum>, %select_n3A masked %reduce_sum3A_46 : vector<16xi32>, vector<16xi1> -> vector<16xi32>
      %reduce_sum3A_48 = vector.extract %reduce_sum3A_47[15] : i32 from vector<16xi32>
      %eq3A_49 = arith.constant 4 : i32
      %eq3A_50 = vector.broadcast %eq3A_49 : i32 to vector<16xi32>
      %eq3A_51 = arith.cmpi eq, %iota3A, %eq3A_50 : vector<16xi32>
      %get3A_52 = arith.constant 0 : index
      %get3A_53 = tpu.vector_load %arg13[%get3A_52] {strides = array<i32>} : memref<16xi32, #tpu.memory_space<vmem>>, vector<16xi32>,
      %jit3A_54 = arith.constant 0 : i32
      %broadcast_in_dim3A_55 = vector.broadcast %jit3A_54 : i32 to vector<16xi32>
      %select_n3A_56 = arith.select %eq3A_51, %get3A_53, %broadcast_in_dim3A_55 : vector<16xi1>, vector<16xi32>
      %reduce_sum3A_57 = arith.constant true
      %reduce_sum3A_58 = vector.broadcast %reduce_sum3A_57 : i1 to vector<16xi1>
      %reduce_sum3A_59 = tpu.scan <sum>, %select_n3A_56 masked %reduce_sum3A_58 : vector<16xi32>, vector<16xi1> -> vector<16xi32>
      %reduce_sum3A_60 = vector.extract %reduce_sum3A_59[15] : i32 from vector<16xi32>
      %eq3A_61 = arith.constant 4 : i32
      %eq3A_62 = vector.broadcast %eq3A_61 : i32 to vector<16xi32>
      %eq3A_63 = arith.cmpi eq, %iota3A, %eq3A_62 : vector<16xi32>
      %get3A_64 = arith.constant 0 : index
      %get3A_65 = tpu.vector_load %arg15[%get3A_64] {strides = array<i32>} : memref<16xi32, #tpu.memory_space<vmem>>, vector<16xi32>,
      %jit3A_66 = arith.constant 0 : i32
      %broadcast_in_dim3A_67 = vector.broadcast %jit3A_66 : i32 to vector<16xi32>
      %select_n3A_68 = arith.select %eq3A_63, %get3A_65, %broadcast_in_dim3A_67 : vector<16xi1>, vector<16xi32>
      %reduce_sum3A_69 = arith.constant true
      %reduce_sum3A_70 = vector.broadcast %reduce_sum3A_69 : i1 to vector<16xi1>
      %reduce_sum3A_71 = tpu.scan <sum>, %select_n3A_68 masked %reduce_sum3A_70 : vector<16xi32>, vector<16xi1> -> vector<16xi32>
      %reduce_sum3A_72 = vector.extract %reduce_sum3A_71[15] : i32 from vector<16xi32>
      %eq3A_73 = arith.constant 4 : i32
      %eq3A_74 = vector.broadcast %eq3A_73 : i32 to vector<16xi32>
      %eq3A_75 = arith.cmpi eq, %iota3A, %eq3A_74 : vector<16xi32>
      %get3A_76 = arith.constant 0 : index
      %get3A_77 = tpu.vector_load %arg14[%get3A_76] {strides = array<i32>} : memref<16xi32, #tpu.memory_space<vmem>>, vector<16xi32>,
      %jit3A_78 = arith.constant 0 : i32
      %broadcast_in_dim3A_79 = vector.broadcast %jit3A_78 : i32 to vector<16xi32>
      %select_n3A_80 = arith.select %eq3A_75, %get3A_77, %broadcast_in_dim3A_79 : vector<16xi1>, vector<16xi32>
      %reduce_sum3A_81 = arith.constant true
      %reduce_sum3A_82 = vector.broadcast %reduce_sum3A_81 : i1 to vector<16xi1>
      %reduce_sum3A_83 = tpu.scan <sum>, %select_n3A_80 masked %reduce_sum3A_82 : vector<16xi32>, vector<16xi1> -> vector<16xi32>
      %reduce_sum3A_84 = vector.extract %reduce_sum3A_83[15] : i32 from vector<16xi32>
      tpu.wait_dma2 semaphore(%arg28 : memref<!tpu.dma_semaphore, #tpu.memory_space<semaphore_mem>>) src(%arg3 : memref<1000xf32, #tpu.memory_space<hbm>>) dst(%arg16 : memref<1000xf32, #tpu.memory_space<vmem>>)
      tpu.wait_dma2 semaphore(%arg29 : memref<!tpu.dma_semaphore, #tpu.memory_space<semaphore_mem>>) src(%arg4 : memref<1000xf32, #tpu.memory_space<hbm>>) dst(%arg17 : memref<1000xf32, #tpu.memory_space<vmem>>)
      tpu.wait_dma2 semaphore(%arg28 : memref<!tpu.dma_semaphore, #tpu.memory_space<semaphore_mem>>) src(%arg6 : memref<1000xf32, #tpu.memory_space<hbm>>) dst(%arg19 : memref<1000xf32, #tpu.memory_space<vmem>>)
      %dma_wait3A_85 = arith.constant 0 : i32
      %dma_wait3A_86 = tpu.memref_slice %arg20[%dma_wait3A_85] : memref<16xf32, #tpu.memory_space<vmem>> -> memref<1xf32, #tpu.memory_space<vmem>>
      %dma_wait3A_87 = arith.constant 0 : i32
      %dma_wait3A_88 = tpu.memref_slice %arg20[%dma_wait3A_87] : memref<16xf32, #tpu.memory_space<vmem>> -> memref<1xf32, #tpu.memory_space<vmem>>
      tpu.wait_dma2 semaphore(%arg22 : memref<!tpu.dma_semaphore, #tpu.memory_space<semaphore_mem>>) src(%arg2 : memref<1xf32, #tpu.memory_space<hbm>>) dst(%dma_wait3A_88 : memref<1xf32, #tpu.memory_space<vmem>>)
      %dma_wait3A_89 = arith.constant 0 : i32
      %dma_wait3A_90 = tpu.memref_slice %arg5[%dma_wait3A_89] : memref<1000xf32, #tpu.memory_space<hbm>> -> memref<16xf32, #tpu.memory_space<hbm>>
      %dma_wait3A_91 = arith.constant 0 : i32
      %dma_wait3A_92 = tpu.memref_slice %arg5[%dma_wait3A_91] : memref<1000xf32, #tpu.memory_space<hbm>> -> memref<16xf32, #tpu.memory_space<hbm>>
      tpu.wait_dma2 semaphore(%arg23 : memref<!tpu.dma_semaphore, #tpu.memory_space<semaphore_mem>>) src(%dma_wait3A_92 : memref<16xf32, #tpu.memory_space<hbm>>) dst(%arg18 : memref<16xf32, #tpu.memory_space<vmem>>)
      %broadcast_in_dim3A_93 = vector.broadcast %reduce_sum3A_84 : i32 to vector<16xi32>
      %convert_element_type3A_94 = arith.sitofp %broadcast_in_dim3A_93 : vector<16xi32> to vector<16xf32>
      %eq3A_95 = arith.constant 0 : i32
      %eq3A_96 = vector.broadcast %eq3A_95 : i32 to vector<16xi32>
      %eq3A_97 = arith.cmpi eq, %iota3A, %eq3A_96 : vector<16xi32>
      %sub3A = arith.constant 1.000000e+00 : f32
      %sub3A_98 = vector.broadcast %sub3A : f32 to vector<16xf32>
      %sub3A_99 = arith.subf %sub3A_98, %convert_element_type3A_94 : vector<16xf32>
      %mul3A = arith.constant 2.000000e+00 : f32
      %mul3A_100 = vector.broadcast %mul3A : f32 to vector<16xf32>
      %mul3A_101 = arith.mulf %mul3A_100, %convert_element_type3A_94 : vector<16xf32>
      %sub3A_102 = arith.constant 1.000000e+00 : f32
      %sub3A_103 = vector.broadcast %sub3A_102 : f32 to vector<16xf32>
      %sub3A_104 = arith.subf %mul3A_101, %sub3A_103 : vector<16xf32>
      %get3A_105 = arith.constant 0 : index
      %get3A_106 = tpu.vector_load %arg18[%get3A_105] {strides = array<i32>} : memref<16xf32, #tpu.memory_space<vmem>>, vector<16xf32>,
      %mul3A_107 = arith.mulf %sub3A_104, %get3A_106 : vector<16xf32>
      %add3A = arith.addf %sub3A_99, %mul3A_107 : vector<16xf32>
      %jit3A_108 = arith.constant 0.000000e+00 : f32
      %broadcast_in_dim3A_109 = vector.broadcast %jit3A_108 : f32 to vector<16xf32>
      %select_n3A_110 = arith.select %eq3A_97, %add3A, %broadcast_in_dim3A_109 : vector<16xi1>, vector<16xf32>
      %jit3A_111 = arith.constant 8 : i32
      %div3A = arith.divsi %reduce_sum3A_48, %jit3A_111 : i32
      %sign3A = arith.constant 0 : i32
      %sign3A_112 = arith.cmpi sgt, %reduce_sum3A_48, %sign3A : i32
      %sign3A_113 = arith.extui %sign3A_112 : i1 to i32
      %sign3A_114 = arith.constant 0 : i32
      %sign3A_115 = arith.cmpi slt, %reduce_sum3A_48, %sign3A_114 : i32
      %sign3A_116 = arith.extui %sign3A_115 : i1 to i32
      %sign3A_117 = arith.subi %sign3A_113, %sign3A_116 : i32
      %sign3A_118 = arith.constant 0 : i32
      %sign3A_119 = arith.cmpi sgt, %jit3A_111, %sign3A_118 : i32
      %sign3A_120 = arith.extui %sign3A_119 : i1 to i32
      %sign3A_121 = arith.constant 0 : i32
      %sign3A_122 = arith.cmpi slt, %jit3A_111, %sign3A_121 : i32
      %sign3A_123 = arith.extui %sign3A_122 : i1 to i32
      %sign3A_124 = arith.subi %sign3A_120, %sign3A_123 : i32
      %ne3A = arith.cmpi ne, %sign3A_117, %sign3A_124 : i32
      %rem3A = arith.remsi %reduce_sum3A_48, %jit3A_111 : i32
      %ne3A_125 = arith.constant 0 : i32
      %ne3A_126 = arith.cmpi ne, %rem3A, %ne3A_125 : i32
      %and3A_127 = arith.andi %ne3A, %ne3A_126 : i1
      %sub3A_128 = arith.constant 1 : i32
      %sub3A_129 = arith.subi %div3A, %sub3A_128 : i32
      %select_n3A_130 = arith.select %and3A_127, %sub3A_129, %div3A : i32
      %mul3A_131 = arith.constant 8 : i32
      %mul3A_132 = arith.muli %select_n3A_130, %mul3A_131 : i32
      %min3A = arith.constant 984 : i32
      %min3A_133 = arith.minsi %mul3A_132, %min3A : i32
      %multiple_of3A = tpu.assume_multiple %min3A_133, 8 : i32
      %get3A_134 = arith.index_cast %multiple_of3A : i32 to index
      %get3A_135 = tpu.vector_load %arg16[%get3A_134] {strides = array<i32>} : memref<1000xf32, #tpu.memory_space<vmem>>, vector<16xf32>,
      %sub3A_136 = arith.subi %reduce_sum3A_48, %multiple_of3A : i32
      %eq3A_137 = vector.broadcast %sub3A_136 : i32 to vector<16xi32>
      %eq3A_138 = arith.cmpi eq, %iota3A, %eq3A_137 : vector<16xi32>
      %jit3A_139 = arith.constant 0.000000e+00 : f32
      %broadcast_in_dim3A_140 = vector.broadcast %jit3A_139 : f32 to vector<16xf32>
      %select_n3A_141 = arith.select %eq3A_138, %get3A_135, %broadcast_in_dim3A_140 : vector<16xi1>, vector<16xf32>
      %jit3A_142 = arith.constant 8 : i32
      %div3A_143 = arith.divsi %reduce_sum3A_60, %jit3A_142 : i32
      %sign3A_144 = arith.constant 0 : i32
      %sign3A_145 = arith.cmpi sgt, %reduce_sum3A_60, %sign3A_144 : i32
      %sign3A_146 = arith.extui %sign3A_145 : i1 to i32
      %sign3A_147 = arith.constant 0 : i32
      %sign3A_148 = arith.cmpi slt, %reduce_sum3A_60, %sign3A_147 : i32
      %sign3A_149 = arith.extui %sign3A_148 : i1 to i32
      %sign3A_150 = arith.subi %sign3A_146, %sign3A_149 : i32
      %sign3A_151 = arith.constant 0 : i32
      %sign3A_152 = arith.cmpi sgt, %jit3A_142, %sign3A_151 : i32
      %sign3A_153 = arith.extui %sign3A_152 : i1 to i32
      %sign3A_154 = arith.constant 0 : i32
      %sign3A_155 = arith.cmpi slt, %jit3A_142, %sign3A_154 : i32
      %sign3A_156 = arith.extui %sign3A_155 : i1 to i32
      %sign3A_157 = arith.subi %sign3A_153, %sign3A_156 : i32
      %ne3A_158 = arith.cmpi ne, %sign3A_150, %sign3A_157 : i32
      %rem3A_159 = arith.remsi %reduce_sum3A_60, %jit3A_142 : i32
      %ne3A_160 = arith.constant 0 : i32
      %ne3A_161 = arith.cmpi ne, %rem3A_159, %ne3A_160 : i32
      %and3A_162 = arith.andi %ne3A_158, %ne3A_161 : i1
      %sub3A_163 = arith.constant 1 : i32
      %sub3A_164 = arith.subi %div3A_143, %sub3A_163 : i32
      %select_n3A_165 = arith.select %and3A_162, %sub3A_164, %div3A_143 : i32
      %mul3A_166 = arith.constant 8 : i32
      %mul3A_167 = arith.muli %select_n3A_165, %mul3A_166 : i32
      %min3A_168 = arith.constant 984 : i32
      %min3A_169 = arith.minsi %mul3A_167, %min3A_168 : i32
      %multiple_of3A_170 = tpu.assume_multiple %min3A_169, 8 : i32
      %get3A_171 = arith.index_cast %multiple_of3A_170 : i32 to index
      %get3A_172 = tpu.vector_load %arg17[%get3A_171] {strides = array<i32>} : memref<1000xf32, #tpu.memory_space<vmem>>, vector<16xf32>,
      %sub3A_173 = arith.subi %reduce_sum3A_60, %multiple_of3A_170 : i32
      %eq3A_174 = vector.broadcast %sub3A_173 : i32 to vector<16xi32>
      %eq3A_175 = arith.cmpi eq, %iota3A, %eq3A_174 : vector<16xi32>
      %jit3A_176 = arith.constant 0.000000e+00 : f32
      %broadcast_in_dim3A_177 = vector.broadcast %jit3A_176 : f32 to vector<16xf32>
      %select_n3A_178 = arith.select %eq3A_175, %get3A_172, %broadcast_in_dim3A_177 : vector<16xi1>, vector<16xf32>
      %add3A_179 = arith.addf %select_n3A_141, %select_n3A_178 : vector<16xf32>
      %jit3A_180 = arith.constant 8 : i32
      %div3A_181 = arith.divsi %reduce_sum3A_72, %jit3A_180 : i32
      %sign3A_182 = arith.constant 0 : i32
      %sign3A_183 = arith.cmpi sgt, %reduce_sum3A_72, %sign3A_182 : i32
      %sign3A_184 = arith.extui %sign3A_183 : i1 to i32
      %sign3A_185 = arith.constant 0 : i32
      %sign3A_186 = arith.cmpi slt, %reduce_sum3A_72, %sign3A_185 : i32
      %sign3A_187 = arith.extui %sign3A_186 : i1 to i32
      %sign3A_188 = arith.subi %sign3A_184, %sign3A_187 : i32
      %sign3A_189 = arith.constant 0 : i32
      %sign3A_190 = arith.cmpi sgt, %jit3A_180, %sign3A_189 : i32
      %sign3A_191 = arith.extui %sign3A_190 : i1 to i32
      %sign3A_192 = arith.constant 0 : i32
      %sign3A_193 = arith.cmpi slt, %jit3A_180, %sign3A_192 : i32
      %sign3A_194 = arith.extui %sign3A_193 : i1 to i32
      %sign3A_195 = arith.subi %sign3A_191, %sign3A_194 : i32
      %ne3A_196 = arith.cmpi ne, %sign3A_188, %sign3A_195 : i32
      %rem3A_197 = arith.remsi %reduce_sum3A_72, %jit3A_180 : i32
      %ne3A_198 = arith.constant 0 : i32
      %ne3A_199 = arith.cmpi ne, %rem3A_197, %ne3A_198 : i32
      %and3A_200 = arith.andi %ne3A_196, %ne3A_199 : i1
      %sub3A_201 = arith.constant 1 : i32
      %sub3A_202 = arith.subi %div3A_181, %sub3A_201 : i32
      %select_n3A_203 = arith.select %and3A_200, %sub3A_202, %div3A_181 : i32
      %mul3A_204 = arith.constant 8 : i32
      %mul3A_205 = arith.muli %select_n3A_203, %mul3A_204 : i32
      %min3A_206 = arith.constant 984 : i32
      %min3A_207 = arith.minsi %mul3A_205, %min3A_206 : i32
      %multiple_of3A_208 = tpu.assume_multiple %min3A_207, 8 : i32
      %get3A_209 = arith.index_cast %multiple_of3A_208 : i32 to index
      %get3A_210 = tpu.vector_load %arg19[%get3A_209] {strides = array<i32>} : memref<1000xf32, #tpu.memory_space<vmem>>, vector<16xf32>,
      %sub3A_211 = arith.subi %reduce_sum3A_72, %multiple_of3A_208 : i32
      %eq3A_212 = vector.broadcast %sub3A_211 : i32 to vector<16xi32>
      %eq3A_213 = arith.cmpi eq, %iota3A, %eq3A_212 : vector<16xi32>
      %jit3A_214 = arith.constant 0.000000e+00 : f32
      %broadcast_in_dim3A_215 = vector.broadcast %jit3A_214 : f32 to vector<16xf32>
      %select_n3A_216 = arith.select %eq3A_213, %get3A_210, %broadcast_in_dim3A_215 : vector<16xi1>, vector<16xf32>
      %add3A_217 = arith.addf %add3A_179, %select_n3A_216 : vector<16xf32>
      %add3A_218 = arith.addf %add3A_217, %select_n3A_110 : vector<16xf32>
      %reduce_sum3A_219 = arith.constant true
      %reduce_sum3A_220 = vector.broadcast %reduce_sum3A_219 : i1 to vector<16xi1>
      %reduce_sum3A_221 = tpu.scan <sum>, %add3A_218 masked %reduce_sum3A_220 : vector<16xf32>, vector<16xi1> -> vector<16xf32>
      %reduce_sum3A_222 = vector.extract %reduce_sum3A_221[15] : f32 from vector<16xf32>
      %add3A_223 = arith.constant 1.000000e+00 : f32
      %add3A_224 = arith.addf %add3A_223, %reduce_sum3A_222 : f32
      %eq3A_225 = arith.constant 0 : i32
      %eq3A_226 = vector.broadcast %eq3A_225 : i32 to vector<16xi32>
      %eq3A_227 = arith.cmpi eq, %iota3A, %eq3A_226 : vector<16xi32>
      %get3A_228 = arith.constant 0 : index
      %get3A_229 = tpu.vector_load %arg20[%get3A_228] {strides = array<i32>} : memref<16xf32, #tpu.memory_space<vmem>>, vector<16xf32>,
      %jit3A_230 = arith.constant 0.000000e+00 : f32
      %broadcast_in_dim3A_231 = vector.broadcast %jit3A_230 : f32 to vector<16xf32>
      %select_n3A_232 = arith.select %eq3A_227, %get3A_229, %broadcast_in_dim3A_231 : vector<16xi1>, vector<16xf32>
      %reduce_sum3A_233 = arith.constant true
      %reduce_sum3A_234 = vector.broadcast %reduce_sum3A_233 : i1 to vector<16xi1>
      %reduce_sum3A_235 = tpu.scan <sum>, %select_n3A_232 masked %reduce_sum3A_234 : vector<16xf32>, vector<16xi1> -> vector<16xf32>
      %reduce_sum3A_236 = vector.extract %reduce_sum3A_235[15] : f32 from vector<16xf32>
      %mul3A_237 = arith.mulf %reduce_sum3A_236, %add3A_224 : f32
      %broadcast_in_dim3A_238 = vector.broadcast %mul3A_237 : f32 to vector<16xf32>
      %swap3A = arith.constant 0 : index
      %swap3A_239 = tpu.vector_load %arg21[%swap3A] {strides = array<i32>} : memref<16xf32, #tpu.memory_space<vmem>>, vector<16xf32>,
      tpu.vector_store %arg21[%swap3A], %broadcast_in_dim3A_238 {strides = array<i32>} : memref<16xf32, #tpu.memory_space<vmem>>, vector<16xf32>,
      "tpu.region"() ({
        %run_scoped3A = tpu.sem_alloc : memref<!tpu.dma_semaphore, #tpu.memory_space<semaphore_mem>>
        %dma_start3A_240 = arith.constant 0 : i32
        %dma_start3A_241 = tpu.memref_slice %arg21[%dma_start3A_240] : memref<16xf32, #tpu.memory_space<vmem>> -> memref<1xf32, #tpu.memory_space<vmem>>
        %dma_start3A_242 = arith.constant 0 : i32
        %dma_start3A_243 = tpu.memref_slice %arg21[%dma_start3A_242] : memref<16xf32, #tpu.memory_space<vmem>> -> memref<1xf32, #tpu.memory_space<vmem>>
        tpu.enqueue_dma source(%dma_start3A_243 : memref<1xf32, #tpu.memory_space<vmem>>) target(%arg11 : memref<1xf32, #tpu.memory_space<hbm>>) target_semaphore(%run_scoped3A : memref<!tpu.dma_semaphore, #tpu.memory_space<semaphore_mem>>)
        %dma_wait3A_244 = arith.constant 0 : i32
        %dma_wait3A_245 = tpu.memref_slice %arg21[%dma_wait3A_244] : memref<16xf32, #tpu.memory_space<vmem>> -> memref<1xf32, #tpu.memory_space<vmem>>
        %dma_wait3A_246 = arith.constant 0 : i32
        %dma_wait3A_247 = tpu.memref_slice %arg21[%dma_wait3A_246] : memref<16xf32, #tpu.memory_space<vmem>> -> memref<1xf32, #tpu.memory_space<vmem>>
        tpu.wait_dma2 semaphore(%run_scoped3A : memref<!tpu.dma_semaphore, #tpu.memory_space<semaphore_mem>>) src(%dma_wait3A_247 : memref<1xf32, #tpu.memory_space<vmem>>) dst(%arg11 : memref<1xf32, #tpu.memory_space<hbm>>)
        tpu.yield
      }) : () -> ()
    } else {
    }
    return
  }
}

</mosaic_0001>

<sc_bundles>
// kernel: kernel.3.cloned.1.call-start
scs
__scs_entry_jumppad:
0x0: {  	(pc) =	sbr.rel $0x88, $3  }
0x1: {  	(tag) =	ssettag $0x0;
	lr =	simm.s32 $0x1  }
0x2: {  	[smem:$0x3F98] =	sst lr;
	_ =	strace $0xD0000000  }
0x3: {  	_ = 	snop  }
0x4: {  	_ = 	snop  }
0x5: {  	_ = 	snop  }
0x6: {  	_ = 	snop  }
0x7: {  	_ = 	snop  }
__scs_overlays_trampoline_lowered:
0x8: {  	[smem:$0x3FA7] =	sst s0  }
0x9: {  	[smem:$0x3FA8] =	sst s1  }
0xa: {  	[smem:$0x3FA9] =	sst s2  }
0xb: {  	[smem:$0x3FAA] =	sst s3  }
0xc: {  	[smem:$0x3FAB] =	sst s4  }
0xd: {  	[smem:$0x3FAC] =	sst s5  }
0xe: {  	[smem:$0x3FAD] =	sst s6  }
0xf: {  	[smem:$0x3FAE] =	sst s7  }
0x10: {  	[smem:$0x3FAF] =	sst s8  }
0x11: {  	[smem:$0x3FB0] =	sst s9;
	s0 =	simm.s32 @!p0 $0x0  }
0x12: {  	s1 =	sld [smem:$0x3F96];
	s0 =	simm.s32 @p0 $0x1  }
0x13: {  	[smem:$0x3FB1] =	sst s0;
	s0 =	simm.s32 @!p1 $0x0  }
0x14: {  	s2 =	sld [smem:$0x3F95];
	s0 =	simm.s32 @p1 $0x1  }
0x15: {  	[smem:$0x3FB2] =	sst s0;
	s0 =	simm.s32 @!p2 $0x0  }
0x16: {  	s3 =	sld [smem:$0x3FDB];
	s0 =	simm.s32 @p2 $0x1  }
0x17: {  	s4 =	simm.s32 $0x1BF5;
	[smem:$0x3FB4] =	sst s0  }
0x18: {  	s0 =	sld [smem:$0x3F97];
	_ =	swait.ge [sflag:s4], $0x0  }
0x19: {  	s7 =	sld [smem:$0x3F98]  }
0x1a: {  	s8 =	sadd.s32 $0xFFFFE003, lr  }
0x1b: {  	s9 =	sadd.s32 $0xFFFFFEF7, lr;
	s5 =	simm.s32 $0xFFFFFFFF;
	p2 =	slt.u32 s8, $0xFFFFF086  }
0x1c: {  	p1 =	slt.u32 s9, $0xF7A;
	s5 =	simm.s32 @!p2 $0x0  }
0x1d: {  	s5 =	simm.s32 @p1 $0x1;
	p0 =	seq.s32 s7, s2  }
0x1e: {  	s7 =	smul.u32 @!p0 $0xF7A, s2;
	p2 =	seq.s32 @!p0 s5, $0x0  }
0x1f: {  	s9 =	smul.u32 $0xF7A, s1;
	s8 =	simm.s32 @!p0 $0x1BF5;
	p2 =	por !p2, p0  }
0x20: {  	[sflag:s8] =	ssyncset.s32 @!p0 $0xFFFFF086;
	s6 =	sadd.s32 @!p0 s3, s7;
	s7 =	simm.s32 @!p0 $0x108  }
0x21: {  	s3 =	sadd.s32 s3, s9;
	s6 =	sadd.s32 @!p0 $0x88, s6;
	s7 =	simm.s32 @p2 $0x1082  }
0x22: {  	[simem:s7], [sflag:s8] =	dma.local @!p0 [hbm:s6], $0xF7A  }
0x23: {  	s9 =	sor.u32 $0xD0000000, s2;
	s6 =	simm.s32 $0x108;
	_ =	swait.ge @!p0 [sflag:s8], $0x0  }
0x24: {  	s3 =	sadd.s32 $0x88, s3;
	s6 =	simm.s32 @!p1 $0x1082;
	[sflag:s4] =	ssyncset.s32 $0xFFFFF086  }
0x25: {  	[simem:s6], [sflag:s4] =	dma.local [hbm:s3], $0xF7A  }
0x26: {  	[smem:$0x3F98] =	sst s1;
	(tag) =	ssettag s2;
	_ =	strace s9  }
0x27: {  	s1 =	sld [smem:$0x3FA8]  }
0x28: {  	s2 =	sld [smem:$0x3FA9]  }
0x29: {  	s4 =	sld [smem:$0x3FAB]  }
0x2a: {  	p0 =	seq.s32 s5, $0x0;
	s5 =	sld [smem:$0x3FAC]  }
0x2b: {  	s6 =	sld [smem:$0x3FAD]  }
0x2c: {  	s7 =	sld [smem:$0x3FAE]  }
0x2d: {  	s3 =	simm.s32 $0x108;
	s8 =	sld [smem:$0x3FAF]  }
0x2e: {  	s3 =	simm.s32 @!p0 $0x1082;
	s9 =	sld [smem:$0x3FB0]  }
0x2f: {  	lr =	sadd.s32 s0, s3;
	s0 =	sld [smem:$0x3FA7]  }
0x30: {  	s3 =	sld [smem:$0x3FAA]  }
0x31: {  	[smem:$0x3FB3] =	sst s10  }
0x32: {  	s10 =	sld [smem:$0x3FB1];
	_ =	sdelay $0x3  }
0x33: {  	p0 =	seq.s32 s10, $0x1;
	s10 =	sld [smem:$0x3FB3];
	_ =	sdelay $0x3  }
0x34: {  	[smem:$0x3FB3] =	sst s10  }
0x35: {  	s10 =	sld [smem:$0x3FB2];
	_ =	sdelay $0x3  }
0x36: {  	p1 =	seq.s32 s10, $0x1;
	s10 =	sld [smem:$0x3FB3];
	_ =	sdelay $0x3  }
0x37: {  	[smem:$0x3FB3] =	sst s10  }
0x38: {  	s10 =	sld [smem:$0x3FB4]  }
0x39: {  	_ = 	snop;
	(pc) =	sbr.ind lr, $3  }
0x3a: {  	_ = 	snop  }
0x3b: {  	_ = 	snop  }
0x3c: {  	p2 =	seq.s32 s10, $0x1;
	s10 =	sld [smem:$0x3FB3]  }
0x3d: {  	_ =	shalt  }
0x3e: {  	_ =	shalt  }
0x3f: {  	_ =	shalt  }
0x40: {  	_ =	shalt  }
0x41: {  	_ =	shalt  }
0x42: {  	_ =	shalt  }
0x43: {  	_ =	shalt  }
0x44: {  	_ =	shalt  }
0x45: {  	_ =	shalt  }
0x46: {  	_ =	shalt  }
0x47: {  	_ =	shalt  }
0x48: {  	_ =	shalt  }
0x49: {  	_ =	shalt  }
0x4a: {  	_ =	shalt  }
0x4b: {  	_ =	shalt  }
0x4c: {  	_ =	shalt  }
0x4d: {  	_ =	shalt  }
0x4e: {  	_ =	shalt  }
0x4f: {  	_ =	shalt  }
0x50: {  	_ =	shalt  }
0x51: {  	_ =	shalt  }
0x52: {  	_ =	shalt  }
0x53: {  	_ =	shalt  }
0x54: {  	_ =	shalt  }
0x55: {  	_ =	shalt  }
0x56: {  	_ =	shalt  }
0x57: {  	_ =	shalt  }
0x58: {  	_ =	shalt  }
0x59: {  	_ =	shalt  }
0x5a: {  	_ =	shalt  }
0x5b: {  	_ =	shalt  }
0x5c: {  	_ =	shalt  }
0x5d: {  	_ =	shalt  }
0x5e: {  	_ =	shalt  }
0x5f: {  	_ =	shalt  }
0x60: {  	_ =	shalt  }
0x61: {  	_ =	shalt  }
0x62: {  	_ =	shalt  }
0x63: {  	_ =	shalt  }
0x64: {  	_ =	shalt  }
0x65: {  	_ =	shalt  }
0x66: {  	_ =	shalt  }
0x67: {  	_ =	shalt  }
0x68: {  	_ =	shalt  }
0x69: {  	_ =	shalt  }
0x6a: {  	_ =	shalt  }
0x6b: {  	_ =	shalt  }
0x6c: {  	_ =	shalt  }
0x6d: {  	_ =	shalt  }
0x6e: {  	_ =	shalt  }
0x6f: {  	_ =	shalt  }
0x70: {  	_ =	shalt  }
0x71: {  	_ =	shalt  }
0x72: {  	_ =	shalt  }
0x73: {  	_ =	shalt  }
0x74: {  	_ =	shalt  }
0x75: {  	_ =	shalt  }
0x76: {  	_ =	shalt  }
0x77: {  	_ =	shalt  }
0x78: {  	_ =	shalt  }
0x79: {  	_ =	shalt  }
0x7a: {  	_ =	shalt  }
0x7b: {  	_ =	shalt  }
0x7c: {  	_ =	shalt  }
0x7d: {  	_ =	shalt  }
0x7e: {  	_ =	shalt  }
0x7f: {  	_ =	shalt  }
0x80: {  	_ =	shalt  }
0x81: {  	_ =	shalt  }
0x82: {  	_ =	shalt  }
0x83: {  	_ =	shalt  }
0x84: {  	_ =	shalt  }
0x85: {  	_ =	shalt  }
0x86: {  	_ =	shalt  }
0x87: {  	_ =	shalt  }
.Lfunc_end0:
.L_simem_size_0:
called_computation_lowered:
.L_overlay_start_0:
0x88: {  	s0 =	sld [smem:$0x3FD9]  }
0x89: {  	s1 =	sld [smem:$0x3FFE];
	_ =	sdelay $0x3  }
0x8a: {  	s0 =	sadd.s32 s1, s0  }
0x8b: {  	[smem:$0x3FBF] =	sst s0  }
0x8c: {  	_ = 	snop  }
0x8d: {  	s0 =	sld [smem:$0x3FC9]  }
0x8e: {  	s16 =	sld [smem:$0x3FC8]  }
0x8f: {  	s2 =	sld [smem:$0x3FC7]  }
0x90: {  	s3 =	sld [smem:$0x3FC6]  }
0x91: {  	s4 =	sld [smem:$0x3FC5]  }
0x92: {  	s5 =	sld [smem:$0x3FC4]  }
0x93: {  	s6 =	sld [smem:$0x3FC3]  }
0x94: {  	s7 =	sld [smem:$0x3FC1]  }
0x95: {  	s8 =	sld [smem:$0x3FD0];
	(tm) =	ssettm $0x1  }
0x96: {  	s9 =	sld [smem:$0x3FFB];
	_ =	sdelay $0x3  }
0x97: {  	_ =	strace s9  }
0x98: {  	s9 =	sld [smem:$0x3FFC];
	_ =	sdelay $0x3  }
0x99: {  	_ =	strace s9  }
0x9a: {  	s9 =	sld [smem:$0x3FFD];
	_ =	sdelay $0x3  }
0x9b: {  	_ =	strace s9  }
0x9c: {  	_ =	strace $0x8FFFFFFF  }
0x9d: {  	s17 =	sld [smem:$0x3FDB];
	_ =	sdelay $0x1  }
0x9e: {  	s10 =	simm.s32 $_scs_section_size  }
0x9f: {  	s11 =	simm.s32 $_size__tile_overlayer_lowered;
	s12 =	simm.s32 $_tile_overlayer_lowered  }
0xa0: {  	s20 =	simm.s32 $0x1BFF;
	s19 =	sshll.u32 s12, $0x1;
	s9 =	sadd.s32 s10, s17  }
0xa1: {  	s13 =	simm.s32 $0x0;
	s18 =	sshll.u32 s11, $0x1;
	s11 =	sadd.s32 s19, s9  }
0xa2: {  	[timem:s13], [sflag:s20] =	dma.local [hbm:s11], s18  }
0xa3: {  	_ =	swait.ge [sflag:s20], s18  }
0xa4: {  	s10 =	ssub.s32 $0x0, s18;
	[sflag:s20] =	ssyncset.done $0x0  }
0xa5: {  	[sflag:s20] =	ssyncadd.s32 s10;
	_ =	sdelay $0x1  }
0xa6: {  	s21 =	simm.s32 $0x1B8B  }
0xa7: {  	_ =	swait.ge [sflag:s21], $0x1  }
0xa8: {  	[sflag:s21] =	ssyncset.done $0x0  }
0xa9: {  	s23 =	simm.s32 $0x1B8E;
	s22 =	sld [smem:$0x3FFE];
	[sflag:s21] =	ssyncadd.s32 $0xFFFFFFFF  }
0xaa: {  	s24 =	simm.s32 $execute0_lowered;
	[smem:$0x3FD2] =	sst s23  }
0xab: {  	s11 =	sshll.u32 s24, $0x1;
	_ =	strace $0x80000046;
	[dreg:$0x1] =	wrdreg $0xFFFFFFFF  }
0xac: {  	s25 =	simm.s32 $_size_execute0_lowered;
	s9 =	sadd.s32 s9, s11;
	[dreg:$0x0] =	wrdreg $0x0  }
0xad: {  	s11 =	sshll.u32 s25, $0x1;
	[dreg:$0x2] =	wrdreg s9  }
0xae: {  	[dreg:$0x3] =	wrdreg s11  }
0xaf: {  	[dreg:$0x4] =	wrdreg $0xC0  }
0xb0: {  	_ =	task [dreg:s13], $0x5FFFF  }
0xb1: {  	[dreg:$0x1] =	wrdreg $0xFFFFFFFF  }
0xb2: {  	[dreg:$0x0] =	wrdreg $0x60  }
0xb3: {  	[dreg:$0x2] =	wrdreg s0  }
0xb4: {  	[dreg:$0x3] =	wrdreg s16  }
0xb5: {  	[dreg:$0x4] =	wrdreg s2  }
0xb6: {  	[dreg:$0x5] =	wrdreg s3  }
0xb7: {  	[dreg:$0x6] =	wrdreg s4  }
0xb8: {  	[dreg:$0x7] =	wrdreg s5  }
0xb9: {  	[dreg:$0x8] =	wrdreg s6  }
0xba: {  	[dreg:$0x9] =	wrdreg s22  }
0xbb: {  	[dreg:$0xa] =	wrdreg s7  }
0xbc: {  	[dreg:$0xb] =	wrdreg s8  }
0xbd: {  	[dreg:$0xc] =	wrdreg $0x9  }
0xbe: {  	_ =	task.clear_ibuf [dreg:s13], $0xDFFFF;
	_ =	strace $0x90000046  }
0xbf: {  	s26 =	simm.s32 $0x9;
	_ =	strace $0x80000048  }
0xc0: {  	_ =	swait.ge [sflag:s26], $0x1  }
0xc1: {  	[sflag:s26] =	ssyncadd.s32 $0xFFFFFFFF  }
0xc2: {  	_ =	strace $0x90000048  }
0xc3: {  	_ =	sfence  }
0xc4: {  	s28 =	sld [smem:$0x0];
	_ =	sdelay $0x1  }
0xc5: {  	s29 =	srdreg.scid  }
0xc6: {  	s30 =	sshll.u32 s29, $0xD;
	s31 =	sshrl.u32 s29, $0x2  }
0xc7: {  	s1 =	sand.u32 $0x1, s29;
	s2 =	sand.u32 $0x4000, s30;
	s0 =	sadd.s32 s31, s28  }
0xc8: {  	s1 =	sor.u32 s2, s1;
	s0 =	sshll.u32 s0, $0x11  }
0xc9: {  	s0 =	sor.u32 s0, s1  }
0xca: {  	s0 =	sadd.s32 $0x8F2B, s0  }
0xcb: {  	[sflag:s0] =	ssyncadd.remote.s32 $0x1  }
0xcc: {  	_ =	sfence.sel $0xFFFF  }
0xcd: {  	[dreg:$0x0] =	wrdreg $0xFFFFFFFF;
	(pc) =	sbr.abs _section_cstart, $3  }
0xce: {  	[dreg:$0x1] =	wrdreg $0xFFFFFFFF  }
0xcf: {  	_ =	task.clear_ibuf [dreg:s13], $0x2FFFF;
	_ =	strace $0x9FFFFFFF  }
0xd0: {  	(tm) =	ssettm $0x7FFFFFFF  }
0xd1: {  	_ =	shalt  }
tec
execute0_lowered:
.L_overlay_start_1:
0x0: {  	(tag) =	ssettag $0x1  }
0x1: {  	s3 =	rddreg [dreg:$0x0]  }
0x2: {  	s7 =	rddreg [dreg:$0x1]  }
0x3: {  	s5 =	rddreg [dreg:$0x2]  }
0x4: {  	s4 =	rddreg [dreg:$0x3]  }
0x5: {  	s6 =	rddreg [dreg:$0x4]  }
0x6: {  	s10 =	rddreg [dreg:$0x5];
	s12 =	stileid.u32  }
0x7: {  	s9 =	rddreg [dreg:$0x6];
	p0 =	sne.s32 s12, $0x0  }
.Ltmp0:
0x8: {  	s11 =	rddreg [dreg:$0x7];
	(pc) =	sbr.rel @p0 .LBB2_2-.Ltmp0, $4  }
0x9: {  	s8 =	rddreg [dreg:$0x8]  }
0xa: {  	s1 =	rddreg [dreg:$0x9];
	s2 =	simm.s32 $0x0  }
0xb: {  	[smem:$0x7FF] =	sst s2  }
0xc: {  	s0 =	rddreg [dreg:$0xa];
	_ =	strace $0x80000047  }
0xd: {  	s10 =	sadd.s32 $0xC, s10  }
0xe: {  	[tilespmem:s2], [sflag:$0x3] =	stream.linear.gather [hbm4b:s10+s2], $0x10, $0x38;
	[tilespmem:$0xF80] =	vst v63  }
0xf: {  	s22 =	sadd.s32 $0x400, s11;
	s9 =	sadd.s32 $0xC, s9;
	s23 =	simm.s32 $0x80  }
0x10: {  	[tilespmem:s23], [sflag:$0x4] =	stream.linear.gather [hbm4b:s9+s2], $0x10, $0x38;
	[tilespmem:$0xF80] =	vst v63  }
0x11: {  	s25 =	simm.s32 $0x100;
	s24 =	sadd.s32 $0xC, s22  }
0x12: {  	[tilespmem:s25], [sflag:$0x5] =	stream.linear.gather [hbm4b:s24+s2], $0x10, $0x38;
	[tilespmem:$0xF80] =	vst v63  }
0x13: {  	s8 =	sadd.s32 $0xC, s8;
	s26 =	simm.s32 $0x180  }
0x14: {  	[tilespmem:s26], [sflag:$0x6] =	stream.linear.gather [hbm4b:s8+s2], $0x10, $0x38;
	[tilespmem:$0xF80] =	vst v63  }
0x15: {  	s28 =	simm.s32 $0x200  }
0x16: {  	[tilespmem:s28], [sflag:$0x7] =	stream.linear.gather [hbm4b:s7+s2], $0x400, $0x38;
	[tilespmem:$0xF80] =	vst v63  }
0x17: {  	s29 =	simm.s32 $0x600  }
0x18: {  	[tilespmem:s29], [sflag:$0x8] =	stream.linear.gather [hbm4b:s5+s2], $0x400, $0x38;
	[tilespmem:$0xF80] =	vst v63  }
0x19: {  	s30 =	simm.s32 $0xA80  }
0x1a: {  	[tilespmem:s30], [sflag:$0x7] =	stream.linear.gather [hbm4b:s6+s2], $0x400, $0x38;
	[tilespmem:$0xF80] =	vst v63  }
0x1b: {  	s31 =	simm.s32 $0xE80  }
0x1c: {  	[tilespmem:s31], [sflag:$0x1] =	stream.linear.gather [hbm4b:s3+s2], $0x1, $0x38;
	[tilespmem:$0xF80] =	vst v63  }
0x1d: {  	s7 =	simm.s32 $0x3;
	s6 =	simm.s32 $0xA00  }
0x1e: {  	[tilespmem:s6], [sflag:$0x2] =	stream.linear.gather [hbm4b:s4+s2], $0x10, $0x38;
	[tilespmem:$0xF80] =	vst v63  }
0x1f: {  	_ =	swait.ge [sflag:s7], $0x10  }
0x20: {  	[sflag:s7] =	ssyncset.done $0x0  }
0x21: {  	s8 =	simm.s32 $0x4;
	[sflag:s7] =	ssyncadd.s32 $0xFFFFFFF0  }
0x22: {  	_ =	swait.ge [sflag:s8], $0x10  }
0x23: {  	[sflag:s8] =	ssyncset.done $0x0  }
0x24: {  	s9 =	simm.s32 $0x5;
	[sflag:s8] =	ssyncadd.s32 $0xFFFFFFF0  }
0x25: {  	_ =	swait.ge [sflag:s9], $0x10  }
0x26: {  	[sflag:s9] =	ssyncset.done $0x0  }
0x27: {  	s10 =	simm.s32 $0x6;
	[sflag:s9] =	ssyncadd.s32 $0xFFFFFFF0  }
0x28: {  	_ =	swait.ge [sflag:s10], $0x10  }
0x29: {  	[sflag:s10] =	ssyncset.done $0x0  }
0x2a: {  	[sflag:s10] =	ssyncadd.s32 $0xFFFFFFF0  }
0x2b: {  	v0 =	vld [tilespmem:$0x0]  }
0x2c: {  	v1 =	vld [tilespmem:$0x80]  }
0x2d: {  	v2 =	vld [tilespmem:$0x180];
	_ =	sdelay $0x1  }
0x2e: {  	vm0 =	vcmask $0xF14  }
0x2f: {  	v0 =	vsel vm0, $0x0, v0  }
0x30: {  	v46 =	vsel vm0, $0x0, v1;
	(xrf0) =	vadd.scan.msk.s32 $0xffff, v0  }
0x31: {  	v47 =	vsel vm0, $0x0, v2;
	(xrf0) =	vadd.scan.msk.s32 $0xffff, v46  }
0x32: {  	(xrf0) =	vadd.scan.msk.s32 $0xffff, v47;
	_ =	sdelay $0x3  }
0x33: {  	v48, _, _ =	vpop (xrf0)  }
0x34: {  	v49, _, _ =	vpop (xrf0);
	(v2sf) =	vpush v48, $0xF  }
0x35: {  	(v2sf) =	vpush v49, $0xF;
	v50, _, _ =	vpop (xrf0)  }
0x36: {  	(v2sf) =	vpush v50, $0xF;
	_ =	sdelay $0x3  }
0x37: {  	v51 =	vld [tilespmem:$0x100];
	_ =	sdelay $0x4  }
0x38: {  	v0 =	vsel vm0, $0x0, v51  }
0x39: {  	(xrf0) =	vadd.scan.msk.s32 $0xffff, v0;
	_ =	sdelay $0x1  }
0x3a: {  	s14 =	simm.s32 $0x7;
	s15 =	simm.s32 $0x8  }
0x3b: {  	s16 =	simm.s32 $0x2;
	s6 =	simm.s32 $0x1;
	s11 =	spop (v2sf)  }
0x3c: {  	s9 =	simm.s32 $0x1;
	s12 =	spop (v2sf);
	s17 =	sand.u32 $0x7, s11  }
0x3d: {  	s18 =	sshra.s32 s11, $0x1F;
	p1 =	slt.s32 s11, $0x1;
	s13 =	spop (v2sf)  }
0x3e: {  	v0, _, _ =	vpop (xrf0);
	p2 =	sne.s32 s17, $0x0;
	s19 =	sshrl.u32 s18, $0x1D;
	s21 =	sand.u32 $0x7, s12  }
0x3f: {  	s22 =	sshra.s32 s12, $0x1F;
	p3 =	slt.s32 s12, $0x1;
	_ =	swait.ge [sflag:s14], $0x400  }
0x40: {  	p1 =	por !p1, !p2;
	s8 =	sadd.s32 s19, s11;
	[sflag:s14] =	ssyncset.done $0x0  }
0x41: {  	p4 =	sne.s32 s21, $0x0;
	s23 =	sshrl.u32 s22, $0x1D;
	[sflag:s14] =	ssyncadd.s32 $0xFFFFFC00  }
0x42: {  	s24 =	sand.u32 $0x7, s13;
	p5 =	slt.s32 s13, $0x1;
	_ =	swait.ge [sflag:s15], $0x400  }
0x43: {  	s25 =	sshra.s32 s13, $0x1F;
	p1 =	por !p1, !p1;
	[sflag:s15] =	ssyncset.done $0x0  }
0x44: {  	s8 =	sshrl.u32 s8, $0x3;
	p6 =	sne.s32 s24, $0x0;
	[sflag:s15] =	ssyncadd.s32 $0xFFFFFC00  }
0x45: {  	s10 =	sshrl.u32 s25, $0x1D;
	s9 =	simm.s32 @!p1 $0x0;
	_ =	swait.ge [sflag:s14], $0x400  }
0x46: {  	p1 =	por !p3, !p4;
	s26 =	sadd.s32 s10, s13;
	[sflag:s14] =	ssyncset.done $0x0  }
0x47: {  	s20 =	ssub.s32 s8, s9;
	p1 =	por !p1, !p1;
	[sflag:s14] =	ssyncadd.s32 $0xFFFFFC00  }
0x48: {  	s9 =	simm.s32 $0x1;
	s8 =	sadd.s32 s23, s12;
	_ =	swait.ge [sflag:s6], $0x1  }
0x49: {  	s7 =	sshll.u32 s20, $0x3;
	s9 =	simm.s32 @!p1 $0x0;
	[sflag:s6] =	ssyncset.done $0x0  }
0x4a: {  	p1 =	por !p5, !p6;
	s8 =	sshrl.u32 s8, $0x3;
	[sflag:s6] =	ssyncadd.s32 $0xFFFFFFFF  }
0x4b: {  	p2 =	slt.s32 s7, $0x3D8;
	s8 =	ssub.s32 s8, s9;
	_ =	swait.ge [sflag:s16], $0x10  }
0x4c: {  	p1 =	por !p1, !p1;
	s9 =	sshrl.u32 s26, $0x3;
	[sflag:s16] =	ssyncset.done $0x0  }
0x4d: {  	v0 =	vcvt.s32.f32 v0;
	s8 =	sshll.u32 s8, $0x3;
	s6 =	simm.s32 @!p1 $0x0;
	[sflag:s16] =	ssyncadd.s32 $0xFFFFFFF0  }
0x4e: {  	s7 =	simm.s32 @!p2 $0x3D8;
	p1 =	slt.s32 s8, $0x3D8;
	s6 =	ssub.s32 s9, s6;
	v53 =	vld [tilespmem:$0xA00]  }
0x4f: {  	v52 =	vadd.f32 v0, v0;
	s8 =	simm.s32 @!p1 $0x3D8;
	s6 =	sshll.u32 s6, $0x3;
	v3 =	vld [tilespmem:s7+$0x200]  }
0x50: {  	v0 =	vbroadcast v0, $0xF;
	p1 =	slt.s32 s6, $0x3D8;
	v4 =	vld [tilespmem:s8+$0x600]  }
0x51: {  	v1 =	vbroadcast v52, $0xF;
	s6 =	simm.s32 @!p1 $0x3D8  }
0x52: {  	v6 =	vlaneseq.u32;
	v0 =	vsub.f32 $1.000000000e+00, v0;
	s5 =	ssub.s32 s11, s7;
	s4 =	ssub.s32 s12, s8;
	v7 =	vld [tilespmem:s6+$0xA80]  }
0x53: {  	v1 =	vadd.f32 $-1.000000000e+00, v1;
	v5 =	vmov s5;
	v54 =	vmov s4;
	s3 =	ssub.s32 s13, s6  }
0x54: {  	vm12 =	veq.s32 v5, v6;
	vm13 =	veq.s32 v54, v6;
	v57 =	vmov s3  }
0x55: {  	v1 =	vmul.f32 v53, v1;
	v55 =	vnsel vm12, $0x0, v3;
	v56 =	vnsel vm13, $0x0, v4  }
0x56: {  	vm14 =	veq.s32 v57, v6;
	v2 =	vadd.f32 v56, v55  }
0x57: {  	v58 =	vnsel vm14, $0x0, v7;
	v0 =	vadd.f32 v1, v0  }
0x58: {  	vm15 =	vmmov $0x1;
	v59 =	vld [tilespmem:$0xE80];
	v1 =	vadd.f32 v58, v2  }
0x59: {  	v0 =	vnsel vm15, $0x0, v0  }
0x5a: {  	v0 =	vadd.f32 v1, v0;
	_ =	sdelay $0x1  }
0x5b: {  	(xrf2) =	vadd.scan.msk.f32 $0xffff, v0  }
0x5c: {  	v60 =	vnsel vm15, $0x0, v59  }
0x5d: {  	(xrf2) =	vadd.scan.msk.f32 $0xffff, v60;
	_ =	sdelay $0x7  }
0x5e: {  	v61, _, _ =	vpop (xrf2)  }
0x5f: {  	(v2sf) =	vpush v61, $0xF  }
0x60: {  	v62, _, _ =	vpop (xrf2)  }
0x61: {  	(v2sf) =	vpush v62, $0xF;
	_ =	sdelay $0xc  }
0x62: {  	s28 =	spop (v2sf)  }
0x63: {  	s3 =	sadd.f32 $1.000000000e+00, s28  }
0x64: {  	s29 =	spop (v2sf)  }
0x65: {  	s3 =	smul.f32 s3, s29;
	_ =	sdelay $0x1  }
0x66: {  	v63 =	vmov s3  }
0x67: {  	s30 =	simm.s32 $0xF00;
	s31 =	simm.s32 $0x9;
	[tilespmem:$0xF00] =	vst v63  }
0x68: {  	[hbm4b:s1+s2] =	stream.linear.scatter [tilespmem:s30], [sflag:$0x9], $0x1, $0x38;
	[tilespmem:$0xF80] =	vst v63  }
0x69: {  	_ =	swait.ge [sflag:s31], $0x1  }
0x6a: {  	[sflag:s31] =	ssyncset.done $0x0  }
0x6b: {  	[sflag:s31] =	ssyncadd.s32 $0xFFFFFFFF  }
.LBB2_2:
0x6c: {  	_ =	sfence.sel $0x180000  }
0x6d: {  	[bflag:$0x0] =	sbarrier.arrive $0xFFFF  }
0x6e: {  	_ =	strace $0x90000047  }
0x6f: {  	s0 =	sadd.s32 @!p0 $0x100000, s0;
	[bflag:$0x2] =	sbarrier.arrive $0xFFFF  }
0x70: {  	[sflag:s0] =	ssyncadd.tile.s32 @!p0 $0x1;
	_ =	shalt  }
.Lfunc_end2:
_tile_overlayer_lowered:
.L_overlay_start_2:
0x71: {  	(tag) =	ssettag $0x2  }
0x72: {  	s0 =	rddreg [dreg:$0x0];
	s2 =	stileid.u32  }
0x73: {  	s1 =	rddreg [dreg:$0x1];
	p0 =	sne.s32 s2, $0x0  }
0x74: {  	s3 =	rddreg [dreg:$0x2];
	[bflag:$0x3] =	sbarrier.arrive $0xFFFF;
	s2 =	simm.s32 @!p0 $0x1C09  }
0x75: {  	[timem:s3], [sflag:s2] =	dma.local @!p0 [hbm:s0], s1  }
0x76: {  	s0 =	simm.s32 @!p0 $0x9  }
0x77: {  	_ =	swait.ge @!p0 [sflag:s0], s1  }
0x78: {  	s1 =	ssub.s32 @!p0 $0x0, s1;
	[sflag:s0] =	ssyncset.done @!p0 $0x0  }
0x79: {  	[sflag:s0] =	ssyncadd.s32 @!p0 s1  }
0x7a: {  	[bflag:$0x3] =	sbarrier.arrive $0xFFFF  }
0x7b: {  	_ =	shalt  }

</sc_bundles>
